<compile_context>
chip_gen: v7x
topology: tpu7x:2x2x1
jax: 0.10.2.dev20260603
libtpu: 0.0.44.dev20260713+nightly
codegen_flags: <defaults>
</compile_context>

<pallas_src>
import jax
import jax.numpy as jnp
from jax import lax
from jax.experimental import pallas as pl
from jax.experimental.pallas import tpu as pltpu
from jax.experimental.pallas import tpu_sc as plsc

_DECAY = 0.7
_THETA = 1.0
_K_WINNERS = 5
_GAIN_UP = 1.5
_GAIN_DOWN = 0.6
_VOCAB = 100000
_SEQ = 4096

_LANES = 16
_NUM_CORES = 1
_NUM_SUBCORES = 16
_NW = _NUM_CORES * _NUM_SUBCORES
_CHUNK = 6400
_LAST_CHUNK = _VOCAB - (_NW - 1) * _CHUNK


def _sc_body(tokens_hbm, out_hbm, tok_v, buf_v, sem):
    wid = lax.axis_index("s") * _NUM_CORES + lax.axis_index("c")
    base = wid * _CHUNK
    limit = jnp.where(wid == _NW - 1, _LAST_CHUNK, _CHUNK).astype(jnp.uint32)

    tok_dma = pltpu.async_copy(tokens_hbm, tok_v, sem)

    ones = jnp.full((_LANES,), 1.0, jnp.float32)

    @plsc.parallel_loop(0, _CHUNK // _LANES, unroll=8)
    def _(i):
        buf_v[pl.ds(i * _LANES, _LANES)] = ones

    tok_dma.wait()

    down = jnp.full((_LANES,), _GAIN_DOWN, jnp.float32)

    @plsc.parallel_loop(0, _SEQ // _LANES, unroll=8)
    def _(i):
        li = tok_v[pl.ds(i * _LANES, _LANES)] - base
        m = li.astype(jnp.uint32) < limit
        plsc.store_scatter(buf_v, [li], down, mask=m)

    @pl.when(wid == 0)
    def _():
        head = buf_v[pl.ds(0, _LANES)]
        lane = lax.iota(jnp.int32, _LANES)
        buf_v[pl.ds(0, _LANES)] = jnp.where(lane < _K_WINNERS, _GAIN_UP, head)

    @pl.when(wid == _NW - 1)
    def _():
        pltpu.sync_copy(
            buf_v.at[pl.ds(0, _LAST_CHUNK)], out_hbm.at[pl.ds(base, _LAST_CHUNK)]
        )

    @pl.when(wid != _NW - 1)
    def _():
        pltpu.sync_copy(buf_v, out_hbm.at[pl.ds(base, _CHUNK)])


@jax.jit
def _gains(tokens):
    mesh = plsc.VectorSubcoreMesh(
        core_axis_name="c", subcore_axis_name="s", num_cores=_NUM_CORES
    )
    run = pl.kernel(
        _sc_body,
        mesh=mesh,
        out_type=jax.ShapeDtypeStruct((_VOCAB,), jnp.float32),
        scratch_types=[
            pltpu.VMEM((_SEQ,), jnp.int32),
            pltpu.VMEM((_CHUNK,), jnp.float32),
            pltpu.SemaphoreType.DMA,
        ],
        compiler_params=pltpu.CompilerParams(needs_layout_passes=False),
    )
    return run(tokens)


def kernel(token_seq, vocab_size):
    return _gains(token_seq.astype(jnp.int32))

# --- scband reference (transcript-rebuilt; emitter-appended) ---
"""Pipeline reference for scband-spiking-attention-jax-49718541418724 (READ-ONLY COPY).

The authoritative reference and input builder live on the scoring server;
editing this copy changes nothing except your own understanding.
"""

import jax, jax.numpy as jnp
import numpy as np

DECAY = 0.7
THETA = 1.0
K_WINNERS = 5
GAIN_UP = 1.5
GAIN_DOWN = 0.6
VOCAB_SIZE = 100000


def setup_inputs(seed: int = 0) -> dict:
    key = jax.random.key(seed)
    vocab_size = 100000
    token_seq = jax.random.randint(key, (4096,), 0, vocab_size, dtype=jnp.int32)
    return {"token_seq": token_seq, "vocab_size": vocab_size}


def reference(token_seq, vocab_size):
    v = jnp.zeros(VOCAB_SIZE)
    spikes = jnp.zeros(VOCAB_SIZE)

    def lif_step(state, token_id):
        v, spikes = state
        token_id_int = jnp.clip(token_id, 0, vocab_size - 1).astype(jnp.int32)
        v_new = DECAY * v.at[token_id_int].get() + 1.0
        spiked = v_new >= THETA
        v_reset = jnp.where(spiked, v_new - THETA, v_new)
        v = v.at[token_id_int].set(v_reset)
        spikes_new = spikes.at[token_id_int].add(spiked.astype(jnp.int32))
        return ((v, spikes_new), None)

    (v_final, spikes_final), _ = jax.lax.scan(lif_step, (v, spikes), token_seq)
    k = int(min(K_WINNERS, VOCAB_SIZE))
    top_k_vals, top_k_indices = jax.lax.top_k(v_final, k)
    winners = jnp.zeros(VOCAB_SIZE).at[top_k_indices].set(1)
    gains = jnp.where(winners, GAIN_UP, jnp.where(spikes_final > 0, GAIN_DOWN, 1.0))
    return gains

if __name__ == "__main__":
    import jax
    _d = setup_inputs()
    print(jax.jit(kernel)(*tuple(_d.values())))

</pallas_src>

<mosaic_0001>
#map = affine_map<(d0, d1) -> (0)>
module attributes {stable_mosaic.version = 14 : i64} {
  func.func @_sc_body(%arg0: i32, %arg1: i32, %arg2: memref<4096xi32, #tpu.memory_space<hbm>>, %arg3: memref<100000xf32, #tpu.memory_space<hbm>>, %arg4: memref<4096xi32, #tpu.memory_space<vmem>>, %arg5: memref<6400xf32, #tpu.memory_space<vmem>>, %arg6: memref<!tpu.dma_semaphore, #tpu.memory_space<semaphore_mem>>) attributes {dimension_semantics = [#tpu.dimension_semantics<core_parallel>, #tpu.dimension_semantics<subcore_parallel>], iteration_bounds = array<i64: 1, 16>, scalar_prefetch = 0 : i64, scratch_operands = 3 : i64, tpu.core_type = #tpu.core_type<sc_vector_subcore>, window_params = [{transform_indices = #map}, {transform_indices = #map}]} {
    %mul3A = arith.constant 1 : i32
    %mul3A_0 = arith.muli %arg1, %mul3A : i32
    %add3A = arith.addi %mul3A_0, %arg0 : i32
    %mul3A_1 = arith.constant 6400 : i32
    %mul3A_2 = arith.muli %add3A, %mul3A_1 : i32
    %eq3A = arith.constant 15 : i32
    %eq3A_3 = arith.cmpi eq, %add3A, %eq3A : i32
    %jit3A = arith.constant 4000 : i32
    %jit3A_4 = arith.constant 6400 : i32
    %select_n3A = arith.select %eq3A_3, %jit3A, %jit3A_4 : i32
    tpu.enqueue_dma source(%arg2 : memref<4096xi32, #tpu.memory_space<hbm>>) target(%arg4 : memref<4096xi32, #tpu.memory_space<vmem>>) target_semaphore(%arg6 : memref<!tpu.dma_semaphore, #tpu.memory_space<semaphore_mem>>)
    %broadcast_in_dim3A = arith.constant 1.000000e+00 : f32
    %broadcast_in_dim3A_5 = vector.broadcast %broadcast_in_dim3A : f32 to vector<16xf32>
    %parallel_loop3A = arith.constant 0 : i32
    %parallel_loop3A_6 = arith.constant 400 : i32
    %parallel_loop3A_7 = arith.constant 1 : i32
    scf.for %parallel_loop3A_25 = %parallel_loop3A to %parallel_loop3A_6 step %parallel_loop3A_7  : i32 {
      %parallel_loop3A_26 = arith.constant 16 : i32
      %parallel_loop3A_27 = arith.muli %parallel_loop3A_25, %parallel_loop3A_26 : i32
      %parallel_loop3A_28 = arith.index_cast %parallel_loop3A_27 : i32 to index
      %parallel_loop3A_29 = tpu.vector_load %arg5[%parallel_loop3A_28] {strides = array<i32>} : memref<6400xf32, #tpu.memory_space<vmem>>, vector<16xf32>,
      tpu.vector_store %arg5[%parallel_loop3A_28], %broadcast_in_dim3A_5 {strides = array<i32>} : memref<6400xf32, #tpu.memory_space<vmem>>, vector<16xf32>,
    } {sc.loop_unroll_factor = 8 : i64, sc.parallel_access}
    tpu.wait_dma2 semaphore(%arg6 : memref<!tpu.dma_semaphore, #tpu.memory_space<semaphore_mem>>) src(%arg2 : memref<4096xi32, #tpu.memory_space<hbm>>) dst(%arg4 : memref<4096xi32, #tpu.memory_space<vmem>>)
    %broadcast_in_dim3A_8 = arith.constant 6.000000e-01 : f32
    %broadcast_in_dim3A_9 = vector.broadcast %broadcast_in_dim3A_8 : f32 to vector<16xf32>
    %parallel_loop3A_10 = arith.constant 0 : i32
    %parallel_loop3A_11 = arith.constant 256 : i32
    %parallel_loop3A_12 = arith.constant 1 : i32
    scf.for %parallel_loop3A_25 = %parallel_loop3A_10 to %parallel_loop3A_11 step %parallel_loop3A_12  : i32 {
      %parallel_loop3A_26 = arith.constant 16 : i32
      %parallel_loop3A_27 = arith.muli %parallel_loop3A_25, %parallel_loop3A_26 : i32
      %parallel_loop3A_28 = arith.index_cast %parallel_loop3A_27 : i32 to index
      %parallel_loop3A_29 = tpu.vector_load %arg4[%parallel_loop3A_28] {strides = array<i32>} : memref<4096xi32, #tpu.memory_space<vmem>>, vector<16xi32>,
      %parallel_loop3A_30 = vector.broadcast %mul3A_2 : i32 to vector<16xi32>
      %parallel_loop3A_31 = arith.subi %parallel_loop3A_29, %parallel_loop3A_30 : vector<16xi32>
      %parallel_loop3A_32 = vector.broadcast %select_n3A : i32 to vector<16xi32>
      %parallel_loop3A_33 = arith.cmpi ult, %parallel_loop3A_31, %parallel_loop3A_32 : vector<16xi32>
      tpu.vector_store_idx %arg5[%parallel_loop3A_31], %broadcast_in_dim3A_9 masked %parallel_loop3A_33 : memref<6400xf32, #tpu.memory_space<vmem>>[vector<16xi32>], vector<16xf32>, vector<16xi1>
    } {sc.loop_unroll_factor = 8 : i64, sc.parallel_access}
    %eq3A_13 = arith.constant 0 : i32
    %eq3A_14 = arith.cmpi eq, %add3A, %eq3A_13 : i32
    %convert_element_type3A = arith.extui %eq3A_14 : i1 to i32
    %cond3A = arith.constant 0 : i32
    %cond3A_15 = arith.cmpi ne, %convert_element_type3A, %cond3A : i32
    scf.if %cond3A_15 {
      %get3A = arith.constant 0 : index
      %get3A_25 = tpu.vector_load %arg5[%get3A] {strides = array<i32>} : memref<6400xf32, #tpu.memory_space<vmem>>, vector<16xf32>,
      %iota3A = tpu.iota {dimensions = array<i32: 0>} : vector<16xi32>
      %lt3A = arith.constant 5 : i32
      %lt3A_26 = vector.broadcast %lt3A : i32 to vector<16xi32>
      %lt3A_27 = arith.cmpi slt, %iota3A, %lt3A_26 : vector<16xi32>
      %jit3A_28 = arith.constant 1.500000e+00 : f32
      %broadcast_in_dim3A_29 = vector.broadcast %jit3A_28 : f32 to vector<16xf32>
      %select_n3A_30 = arith.select %lt3A_27, %broadcast_in_dim3A_29, %get3A_25 : vector<16xi1>, vector<16xf32>
      %swap3A = arith.constant 0 : index
      %swap3A_31 = tpu.vector_load %arg5[%swap3A] {strides = array<i32>} : memref<6400xf32, #tpu.memory_space<vmem>>, vector<16xf32>,
      tpu.vector_store %arg5[%swap3A], %select_n3A_30 {strides = array<i32>} : memref<6400xf32, #tpu.memory_space<vmem>>, vector<16xf32>,
    } else {
    }
    %eq3A_16 = arith.constant 15 : i32
    %eq3A_17 = arith.cmpi eq, %add3A, %eq3A_16 : i32
    %convert_element_type3A_18 = arith.extui %eq3A_17 : i1 to i32
    %cond3A_19 = arith.constant 0 : i32
    %cond3A_20 = arith.cmpi ne, %convert_element_type3A_18, %cond3A_19 : i32
    scf.if %cond3A_20 {
      "tpu.region"() ({
        %run_scoped3A = tpu.sem_alloc : memref<!tpu.dma_semaphore, #tpu.memory_space<semaphore_mem>>
        %dma_start3A = arith.constant 0 : i32
        %dma_start3A_25 = tpu.memref_slice %arg5[%dma_start3A] : memref<6400xf32, #tpu.memory_space<vmem>> -> memref<4000xf32, #tpu.memory_space<vmem>>
        %dma_start3A_26 = tpu.memref_slice %arg3[%mul3A_2] : memref<100000xf32, #tpu.memory_space<hbm>> -> memref<4000xf32, #tpu.memory_space<hbm>>
        %dma_start3A_27 = tpu.memref_slice %arg3[%mul3A_2] : memref<100000xf32, #tpu.memory_space<hbm>> -> memref<4000xf32, #tpu.memory_space<hbm>>
        %dma_start3A_28 = arith.constant 0 : i32
        %dma_start3A_29 = tpu.memref_slice %arg5[%dma_start3A_28] : memref<6400xf32, #tpu.memory_space<vmem>> -> memref<4000xf32, #tpu.memory_space<vmem>>
        tpu.enqueue_dma source(%dma_start3A_29 : memref<4000xf32, #tpu.memory_space<vmem>>) target(%dma_start3A_27 : memref<4000xf32, #tpu.memory_space<hbm>>) target_semaphore(%run_scoped3A : memref<!tpu.dma_semaphore, #tpu.memory_space<semaphore_mem>>)
        %dma_wait3A = arith.constant 0 : i32
        %dma_wait3A_30 = tpu.memref_slice %arg5[%dma_wait3A] : memref<6400xf32, #tpu.memory_space<vmem>> -> memref<4000xf32, #tpu.memory_space<vmem>>
        %dma_wait3A_31 = tpu.memref_slice %arg3[%mul3A_2] : memref<100000xf32, #tpu.memory_space<hbm>> -> memref<4000xf32, #tpu.memory_space<hbm>>
        %dma_wait3A_32 = tpu.memref_slice %arg3[%mul3A_2] : memref<100000xf32, #tpu.memory_space<hbm>> -> memref<4000xf32, #tpu.memory_space<hbm>>
        %dma_wait3A_33 = arith.constant 0 : i32
        %dma_wait3A_34 = tpu.memref_slice %arg5[%dma_wait3A_33] : memref<6400xf32, #tpu.memory_space<vmem>> -> memref<4000xf32, #tpu.memory_space<vmem>>
        tpu.wait_dma2 semaphore(%run_scoped3A : memref<!tpu.dma_semaphore, #tpu.memory_space<semaphore_mem>>) src(%dma_wait3A_34 : memref<4000xf32, #tpu.memory_space<vmem>>) dst(%dma_wait3A_32 : memref<4000xf32, #tpu.memory_space<hbm>>)
        tpu.yield
      }) : () -> ()
    } else {
    }
    %ne3A = arith.constant 15 : i32
    %ne3A_21 = arith.cmpi ne, %add3A, %ne3A : i32
    %convert_element_type3A_22 = arith.extui %ne3A_21 : i1 to i32
    %cond3A_23 = arith.constant 0 : i32
    %cond3A_24 = arith.cmpi ne, %convert_element_type3A_22, %cond3A_23 : i32
    scf.if %cond3A_24 {
      "tpu.region"() ({
        %run_scoped3A = tpu.sem_alloc : memref<!tpu.dma_semaphore, #tpu.memory_space<semaphore_mem>>
        %dma_start3A = tpu.memref_slice %arg3[%mul3A_2] : memref<100000xf32, #tpu.memory_space<hbm>> -> memref<6400xf32, #tpu.memory_space<hbm>>
        %dma_start3A_25 = tpu.memref_slice %arg3[%mul3A_2] : memref<100000xf32, #tpu.memory_space<hbm>> -> memref<6400xf32, #tpu.memory_space<hbm>>
        tpu.enqueue_dma source(%arg5 : memref<6400xf32, #tpu.memory_space<vmem>>) target(%dma_start3A_25 : memref<6400xf32, #tpu.memory_space<hbm>>) target_semaphore(%run_scoped3A : memref<!tpu.dma_semaphore, #tpu.memory_space<semaphore_mem>>)
        %dma_wait3A = tpu.memref_slice %arg3[%mul3A_2] : memref<100000xf32, #tpu.memory_space<hbm>> -> memref<6400xf32, #tpu.memory_space<hbm>>
        %dma_wait3A_26 = tpu.memref_slice %arg3[%mul3A_2] : memref<100000xf32, #tpu.memory_space<hbm>> -> memref<6400xf32, #tpu.memory_space<hbm>>
        tpu.wait_dma2 semaphore(%run_scoped3A : memref<!tpu.dma_semaphore, #tpu.memory_space<semaphore_mem>>) src(%arg5 : memref<6400xf32, #tpu.memory_space<vmem>>) dst(%dma_wait3A_26 : memref<6400xf32, #tpu.memory_space<hbm>>)
        tpu.yield
      }) : () -> ()
    } else {
    }
    return
  }
}

</mosaic_0001>

<sc_bundles>
// kernel: _gains.3.cloned.1.call-start
scs
__scs_entry_jumppad:
0x0: {  	(pc) =	sbr.rel $0x88, $3  }
0x1: {  	(tag) =	ssettag $0x0;
	lr =	simm.s32 $0x1  }
0x2: {  	[smem:$0x3FA0] =	sst lr;
	_ =	strace $0xD0000000  }
0x3: {  	_ = 	snop  }
0x4: {  	_ = 	snop  }
0x5: {  	_ = 	snop  }
0x6: {  	_ = 	snop  }
0x7: {  	_ = 	snop  }
__scs_overlays_trampoline_lowered:
0x8: {  	[smem:$0x3FAF] =	sst s0  }
0x9: {  	[smem:$0x3FB0] =	sst s1  }
0xa: {  	[smem:$0x3FB1] =	sst s2  }
0xb: {  	[smem:$0x3FB2] =	sst s3  }
0xc: {  	[smem:$0x3FB3] =	sst s4  }
0xd: {  	[smem:$0x3FB4] =	sst s5  }
0xe: {  	[smem:$0x3FB5] =	sst s6  }
0xf: {  	[smem:$0x3FB6] =	sst s7  }
0x10: {  	[smem:$0x3FB7] =	sst s8  }
0x11: {  	[smem:$0x3FB8] =	sst s9;
	s0 =	simm.s32 @!p0 $0x0  }
0x12: {  	s1 =	sld [smem:$0x3F9E];
	s0 =	simm.s32 @p0 $0x1  }
0x13: {  	[smem:$0x3FB9] =	sst s0;
	s0 =	simm.s32 @!p1 $0x0  }
0x14: {  	s2 =	sld [smem:$0x3F9D];
	s0 =	simm.s32 @p1 $0x1  }
0x15: {  	[smem:$0x3FBA] =	sst s0;
	s0 =	simm.s32 @!p2 $0x0  }
0x16: {  	s3 =	sld [smem:$0x3FDB];
	s0 =	simm.s32 @p2 $0x1  }
0x17: {  	s4 =	simm.s32 $0x1BF5;
	[smem:$0x3FBC] =	sst s0  }
0x18: {  	s0 =	sld [smem:$0x3F9F];
	_ =	swait.ge [sflag:s4], $0x0  }
0x19: {  	s7 =	sld [smem:$0x3FA0]  }
0x1a: {  	s8 =	sadd.s32 $0xFFFFE003, lr  }
0x1b: {  	s9 =	sadd.s32 $0xFFFFFEF7, lr;
	s5 =	simm.s32 $0xFFFFFFFF;
	p2 =	slt.u32 s8, $0xFFFFF086  }
0x1c: {  	p1 =	slt.u32 s9, $0xF7A;
	s5 =	simm.s32 @!p2 $0x0  }
0x1d: {  	s5 =	simm.s32 @p1 $0x1;
	p0 =	seq.s32 s7, s2  }
0x1e: {  	s7 =	smul.u32 @!p0 $0xF7A, s2;
	p2 =	seq.s32 @!p0 s5, $0x0  }
0x1f: {  	s9 =	smul.u32 $0xF7A, s1;
	s8 =	simm.s32 @!p0 $0x1BF5;
	p2 =	por !p2, p0  }
0x20: {  	[sflag:s8] =	ssyncset.s32 @!p0 $0xFFFFF086;
	s6 =	sadd.s32 @!p0 s3, s7;
	s7 =	simm.s32 @!p0 $0x108  }
0x21: {  	s3 =	sadd.s32 s3, s9;
	s6 =	sadd.s32 @!p0 $0x88, s6;
	s7 =	simm.s32 @p2 $0x1082  }
0x22: {  	[simem:s7], [sflag:s8] =	dma.local @!p0 [hbm:s6], $0xF7A  }
0x23: {  	s9 =	sor.u32 $0xD0000000, s2;
	s6 =	simm.s32 $0x108;
	_ =	swait.ge @!p0 [sflag:s8], $0x0  }
0x24: {  	s3 =	sadd.s32 $0x88, s3;
	s6 =	simm.s32 @!p1 $0x1082;
	[sflag:s4] =	ssyncset.s32 $0xFFFFF086  }
0x25: {  	[simem:s6], [sflag:s4] =	dma.local [hbm:s3], $0xF7A  }
0x26: {  	[smem:$0x3FA0] =	sst s1;
	(tag) =	ssettag s2;
	_ =	strace s9  }
0x27: {  	s1 =	sld [smem:$0x3FB0]  }
0x28: {  	s2 =	sld [smem:$0x3FB1]  }
0x29: {  	s4 =	sld [smem:$0x3FB3]  }
0x2a: {  	p0 =	seq.s32 s5, $0x0;
	s5 =	sld [smem:$0x3FB4]  }
0x2b: {  	s6 =	sld [smem:$0x3FB5]  }
0x2c: {  	s7 =	sld [smem:$0x3FB6]  }
0x2d: {  	s3 =	simm.s32 $0x108;
	s8 =	sld [smem:$0x3FB7]  }
0x2e: {  	s3 =	simm.s32 @!p0 $0x1082;
	s9 =	sld [smem:$0x3FB8]  }
0x2f: {  	lr =	sadd.s32 s0, s3;
	s0 =	sld [smem:$0x3FAF]  }
0x30: {  	s3 =	sld [smem:$0x3FB2]  }
0x31: {  	[smem:$0x3FBB] =	sst s10  }
0x32: {  	s10 =	sld [smem:$0x3FB9];
	_ =	sdelay $0x3  }
0x33: {  	p0 =	seq.s32 s10, $0x1;
	s10 =	sld [smem:$0x3FBB];
	_ =	sdelay $0x3  }
0x34: {  	[smem:$0x3FBB] =	sst s10  }
0x35: {  	s10 =	sld [smem:$0x3FBA];
	_ =	sdelay $0x3  }
0x36: {  	p1 =	seq.s32 s10, $0x1;
	s10 =	sld [smem:$0x3FBB];
	_ =	sdelay $0x3  }
0x37: {  	[smem:$0x3FBB] =	sst s10  }
0x38: {  	s10 =	sld [smem:$0x3FBC]  }
0x39: {  	_ = 	snop;
	(pc) =	sbr.ind lr, $3  }
0x3a: {  	_ = 	snop  }
0x3b: {  	_ = 	snop  }
0x3c: {  	p2 =	seq.s32 s10, $0x1;
	s10 =	sld [smem:$0x3FBB]  }
0x3d: {  	_ =	shalt  }
0x3e: {  	_ =	shalt  }
0x3f: {  	_ =	shalt  }
0x40: {  	_ =	shalt  }
0x41: {  	_ =	shalt  }
0x42: {  	_ =	shalt  }
0x43: {  	_ =	shalt  }
0x44: {  	_ =	shalt  }
0x45: {  	_ =	shalt  }
0x46: {  	_ =	shalt  }
0x47: {  	_ =	shalt  }
0x48: {  	_ =	shalt  }
0x49: {  	_ =	shalt  }
0x4a: {  	_ =	shalt  }
0x4b: {  	_ =	shalt  }
0x4c: {  	_ =	shalt  }
0x4d: {  	_ =	shalt  }
0x4e: {  	_ =	shalt  }
0x4f: {  	_ =	shalt  }
0x50: {  	_ =	shalt  }
0x51: {  	_ =	shalt  }
0x52: {  	_ =	shalt  }
0x53: {  	_ =	shalt  }
0x54: {  	_ =	shalt  }
0x55: {  	_ =	shalt  }
0x56: {  	_ =	shalt  }
0x57: {  	_ =	shalt  }
0x58: {  	_ =	shalt  }
0x59: {  	_ =	shalt  }
0x5a: {  	_ =	shalt  }
0x5b: {  	_ =	shalt  }
0x5c: {  	_ =	shalt  }
0x5d: {  	_ =	shalt  }
0x5e: {  	_ =	shalt  }
0x5f: {  	_ =	shalt  }
0x60: {  	_ =	shalt  }
0x61: {  	_ =	shalt  }
0x62: {  	_ =	shalt  }
0x63: {  	_ =	shalt  }
0x64: {  	_ =	shalt  }
0x65: {  	_ =	shalt  }
0x66: {  	_ =	shalt  }
0x67: {  	_ =	shalt  }
0x68: {  	_ =	shalt  }
0x69: {  	_ =	shalt  }
0x6a: {  	_ =	shalt  }
0x6b: {  	_ =	shalt  }
0x6c: {  	_ =	shalt  }
0x6d: {  	_ =	shalt  }
0x6e: {  	_ =	shalt  }
0x6f: {  	_ =	shalt  }
0x70: {  	_ =	shalt  }
0x71: {  	_ =	shalt  }
0x72: {  	_ =	shalt  }
0x73: {  	_ =	shalt  }
0x74: {  	_ =	shalt  }
0x75: {  	_ =	shalt  }
0x76: {  	_ =	shalt  }
0x77: {  	_ =	shalt  }
0x78: {  	_ =	shalt  }
0x79: {  	_ =	shalt  }
0x7a: {  	_ =	shalt  }
0x7b: {  	_ =	shalt  }
0x7c: {  	_ =	shalt  }
0x7d: {  	_ =	shalt  }
0x7e: {  	_ =	shalt  }
0x7f: {  	_ =	shalt  }
0x80: {  	_ =	shalt  }
0x81: {  	_ =	shalt  }
0x82: {  	_ =	shalt  }
0x83: {  	_ =	shalt  }
0x84: {  	_ =	shalt  }
0x85: {  	_ =	shalt  }
0x86: {  	_ =	shalt  }
0x87: {  	_ =	shalt  }
.Lfunc_end0:
.L_simem_size_0:
called_computation_lowered:
.L_overlay_start_0:
0x88: {  	s0 =	sld [smem:$0x3FD9]  }
0x89: {  	s1 =	sld [smem:$0x3FFE];
	_ =	sdelay $0x3  }
0x8a: {  	s0 =	sadd.s32 s1, s0  }
0x8b: {  	[smem:$0x3FC7] =	sst s0  }
0x8c: {  	_ = 	snop  }
0x8d: {  	s0 =	sld [smem:$0x3FC9]  }
0x8e: {  	s17 =	sld [smem:$0x3FD0];
	(tm) =	ssettm $0x1  }
0x8f: {  	s2 =	sld [smem:$0x3FFB];
	_ =	sdelay $0x3  }
0x90: {  	_ =	strace s2  }
0x91: {  	s2 =	sld [smem:$0x3FFC];
	_ =	sdelay $0x3  }
0x92: {  	_ =	strace s2  }
0x93: {  	s2 =	sld [smem:$0x3FFD];
	_ =	sdelay $0x3  }
0x94: {  	_ =	strace s2  }
0x95: {  	_ =	strace $0x8FFFFFFF  }
0x96: {  	s18 =	sld [smem:$0x3FDB];
	_ =	sdelay $0x1  }
0x97: {  	s3 =	simm.s32 $_scs_section_size  }
0x98: {  	s4 =	simm.s32 $_size__tile_overlayer_lowered;
	s5 =	simm.s32 $_tile_overlayer_lowered  }
0x99: {  	s21 =	simm.s32 $0x1BFF;
	s20 =	sshll.u32 s5, $0x1;
	s2 =	sadd.s32 s3, s18  }
0x9a: {  	s6 =	simm.s32 $0x0;
	s19 =	sshll.u32 s4, $0x1;
	s4 =	sadd.s32 s20, s2  }
0x9b: {  	[timem:s6], [sflag:s21] =	dma.local [hbm:s4], s19  }
0x9c: {  	_ =	swait.ge [sflag:s21], s19  }
0x9d: {  	s3 =	ssub.s32 $0x0, s19;
	[sflag:s21] =	ssyncset.done $0x0  }
0x9e: {  	[sflag:s21] =	ssyncadd.s32 s3;
	_ =	sdelay $0x1  }
0x9f: {  	s22 =	simm.s32 $0x1B8B  }
0xa0: {  	_ =	swait.ge [sflag:s22], $0x1  }
0xa1: {  	[sflag:s22] =	ssyncset.done $0x0  }
0xa2: {  	s23 =	simm.s32 $0x1B8E;
	[sflag:s22] =	ssyncadd.s32 $0xFFFFFFFF  }
0xa3: {  	s24 =	simm.s32 $execute0_lowered;
	[smem:$0x3FD2] =	sst s23  }
0xa4: {  	s3 =	sshll.u32 s24, $0x1;
	_ =	strace $0x80000046;
	[dreg:$0x1] =	wrdreg $0xFFFFFFFF  }
0xa5: {  	s25 =	simm.s32 $_size_execute0_lowered;
	s2 =	sadd.s32 s2, s3;
	[dreg:$0x0] =	wrdreg $0x0  }
0xa6: {  	s3 =	sshll.u32 s25, $0x1;
	[dreg:$0x2] =	wrdreg s2  }
0xa7: {  	[dreg:$0x3] =	wrdreg s3  }
0xa8: {  	[dreg:$0x4] =	wrdreg $0xC0  }
0xa9: {  	_ =	task [dreg:s6], $0x5FFFF  }
0xaa: {  	[dreg:$0x1] =	wrdreg $0xFFFFFFFF  }
0xab: {  	[dreg:$0x0] =	wrdreg $0x60  }
0xac: {  	[dreg:$0x2] =	wrdreg s0  }
0xad: {  	[dreg:$0x3] =	wrdreg s17  }
0xae: {  	[dreg:$0x4] =	wrdreg $0x9  }
0xaf: {  	_ =	task.clear_ibuf [dreg:s6], $0x5FFFF;
	_ =	strace $0x90000046  }
0xb0: {  	s26 =	simm.s32 $0x9;
	_ =	strace $0x80000048  }
0xb1: {  	_ =	swait.ge [sflag:s26], $0x1  }
0xb2: {  	[sflag:s26] =	ssyncadd.s32 $0xFFFFFFFF  }
0xb3: {  	_ =	strace $0x90000048  }
0xb4: {  	_ =	sfence  }
0xb5: {  	s28 =	sld [smem:$0x0];
	_ =	sdelay $0x1  }
0xb6: {  	s29 =	srdreg.scid  }
0xb7: {  	s30 =	sshll.u32 s29, $0xD;
	s31 =	sshrl.u32 s29, $0x2  }
0xb8: {  	s1 =	sand.u32 $0x1, s29;
	s2 =	sand.u32 $0x4000, s30;
	s0 =	sadd.s32 s31, s28  }
0xb9: {  	s1 =	sor.u32 s2, s1;
	s0 =	sshll.u32 s0, $0x11  }
0xba: {  	s0 =	sor.u32 s0, s1  }
0xbb: {  	s0 =	sadd.s32 $0x8F2B, s0  }
0xbc: {  	[sflag:s0] =	ssyncadd.remote.s32 $0x1  }
0xbd: {  	_ =	sfence.sel $0xFFFF  }
0xbe: {  	[dreg:$0x0] =	wrdreg $0xFFFFFFFF;
	(pc) =	sbr.abs _section_cstart, $3  }
0xbf: {  	[dreg:$0x1] =	wrdreg $0xFFFFFFFF  }
0xc0: {  	_ =	task.clear_ibuf [dreg:s6], $0x2FFFF;
	_ =	strace $0x9FFFFFFF  }
0xc1: {  	(tm) =	ssettm $0x7FFFFFFF  }
tec
execute0_lowered:
.L_overlay_start_1:
0x0: {  	(tag) =	ssettag $0x1  }
0x1: {  	s1 =	rddreg [dreg:$0x0]  }
0x2: {  	s2 =	rddreg [dreg:$0x1];
	s3 =	simm.s32 $0x0  }
0x3: {  	[smem:$0x7FF] =	sst s3  }
0x4: {  	s0 =	rddreg [dreg:$0x2];
	_ =	strace $0x80000047  }
0x5: {  	[tilespmem:s3], [sflag:$0x1] =	stream.linear.gather [hbm4b:s1+s3], $0x1000, $0x38;
	[tilespmem:$0x2900] =	vst v63  }
0x6: {  	v0 =	vimm.f32 $1.000000000e+00;
	s3 =	simm.s32 $0x1040  }
0x7: {  	[tilespmem:s3+$0xFFFFFFC0] =	vst v0  }
0x8: {  	[tilespmem:s3+$0x30] =	vst v0  }
0x9: {  	[tilespmem:s3+$0x20] =	vst v0  }
0xa: {  	[tilespmem:s3+$0x10] =	vst v0  }
0xb: {  	[tilespmem:s3+$0x0] =	vst v0  }
0xc: {  	[tilespmem:s3+$0xFFFFFFF0] =	vst v0  }
0xd: {  	s4 =	simm.s32 $0x0;
	s1 =	stileid.u32;
	[tilespmem:s3+$0xFFFFFFE0] =	vst v0  }
.LBB2_1:
0xe: {  	s4 =	sadd.s32 $0x8, s4;
	[tilespmem:s3+$0xFFFFFFD0] =	vst v0;
	s3 =	sadd.s32 $0x80, s3  }
0xf: {  	[tilespmem:s3+$0xFFFFFFC0] =	vst v0;
	p0 =	slt.u32 s4, $0x188  }
0x10: {  	[tilespmem:s3+$0x30] =	vst v0  }
.Ltmp0:
0x11: {  	[tilespmem:s3+$0x20] =	vst v0;
	(pc) =	sbr.rel @p0 .LBB2_1-.Ltmp0, $4  }
0x12: {  	[tilespmem:s3+$0x10] =	vst v0  }
0x13: {  	[tilespmem:s3+$0x0] =	vst v0  }
0x14: {  	[tilespmem:s3+$0xFFFFFFF0] =	vst v0  }
0x15: {  	[tilespmem:s3+$0xFFFFFFE0] =	vst v0  }
0x16: {  	[tilespmem:s3+$0xFFFFFFD0] =	vst v0;
	s30 =	simm.s32 $0x1  }
0x17: {  	_ =	swait.ge [sflag:s30], $0x1000  }
0x18: {  	[sflag:s30] =	ssyncset.done $0x0  }
0x19: {  	s4 =	simm.s32 $0x40;
	[sflag:s30] =	ssyncadd.s32 $0xFFFFF000  }
0x1a: {  	v3 =	vld [tilespmem:s4+$0x30]  }
0x1b: {  	v4 =	vld [tilespmem:s4+$0xFFFFFFD0]  }
0x1c: {  	v5 =	vld [tilespmem:s4+$0xFFFFFFE0]  }
0x1d: {  	v6 =	vld [tilespmem:s4+$0xFFFFFFF0]  }
0x1e: {  	v7 =	vld [tilespmem:s4+$0x0]  }
0x1f: {  	s3 =	smul.u32 $0x1900, s1;
	v8 =	vld [tilespmem:s4+$0x10]  }
0x20: {  	p0 =	seq.s32 s1, $0xF;
	s5 =	simm.s32 $0xFA0;
	v10 =	vld [tilespmem:s4+$0x20]  }
0x21: {  	v0 =	vimm.f32 $6.000000240e-01;
	s5 =	simm.s32 @!p0 $0x1900;
	v2 =	vmov s3;
	v11 =	vld [tilespmem:s4+$0xFFFFFFC0]  }
0x22: {  	v1 =	vmov s5;
	v9 =	vsub.s32 v3, v2;
	v3 =	vand.u32 $0x7F, v3  }
0x23: {  	v12 =	vsub.s32 v4, v2;
	v13 =	vsub.s32 v5, v2;
	v15 =	vsub.s32 v6, v2  }
0x24: {  	v4 =	vand.u32 $0x7F, v4;
	v17 =	vsub.s32 v7, v2;
	v5 =	vand.u32 $0x7F, v5  }
0x25: {  	v19 =	vsub.s32 v8, v2;
	v6 =	vand.u32 $0x7F, v6;
	v21 =	vsub.s32 v10, v2  }
0x26: {  	v22 =	vsub.s32 v11, v2;
	v11 =	vand.u32 $0x7F, v11;
	v7 =	vand.u32 $0x7F, v7  }
0x27: {  	s31 =	simm.s32 $0xC0;
	v8 =	vand.u32 $0x7F, v8;
	vm0 =	vlt.u32 v9, v1;
	v9 =	vand.u32 $0xFFFFFF80, v9  }
0x28: {  	v25 =	vld [tilespmem:s31+$0x30];
	v14 =	vand.u32 $0xFFFFFF80, v13;
	v16 =	vand.u32 $0xFFFFFF80, v15;
	v18 =	vand.u32 $0xFFFFFF80, v17  }
0x29: {  	v20 =	vand.u32 $0xFFFFFF80, v19;
	v24 =	vand.u32 $0xFFFFFF80, v22;
	vm3 =	vlt.u32 v22, v1  }
0x2a: {  	v22 =	vld [tilespmem:s31+$0xFFFFFFD0];
	vm4 =	vlt.u32 v12, v1;
	vm5 =	vlt.u32 v13, v1;
	vm6 =	vlt.u32 v15, v1  }
0x2b: {  	v15 =	vld [tilespmem:s31+$0xFFFFFFF0];
	vm2 =	vlt.u32 v17, v1;
	vm1 =	vlt.u32 v19, v1;
	v3 =	vor.u32 v3, v9  }
0x2c: {  	v9 =	vand.u32 $0xFFFFFF80, v12;
	v11 =	vor.u32 v11, v24;
	v13 =	vor.u32 v5, v14  }
0x2d: {  	v12 =	vld [tilespmem:s31+$0xFFFFFFE0];
	v14 =	vor.u32 v6, v16;
	v17 =	vor.u32 v7, v18;
	v5 =	vsub.s32 v25, v2  }
0x2e: {  	v26 =	vld [tilespmem:s31+$0x0];
	v27 =	vor.u32 v8, v20;
	v8 =	vand.u32 $0x7F, v25;
	v7 =	vand.u32 $0xFFFFFF80, v5  }
0x2f: {  	s4 =	simm.s32 $0x1000;
	v20 =	vld [tilespmem:s31+$0x10];
	v9 =	vor.u32 v4, v9;
	vm7 =	vlt.u32 v5, v1;
	v24 =	vor.u32 v8, v7  }
0x30: {  	v23 =	vand.u32 $0xFFFFFF80, v21;
	v4 =	vld [tilespmem:s31+$0x20];
	v6 =	vsub.s32 v22, v2;
	v8 =	vsub.s32 v15, v2;
	[tilespmem:v3+s4+$0x0] =	vst.idx.msk vm0, v0  }
0x31: {  	v16 =	vand.u32 $0x7F, v22;
	v19 =	vand.u32 $0x7F, v15;
	vm0 =	vlt.u32 v21, v1;
	[tilespmem:v11+s4+$0x0] =	vst.idx.msk vm3, v0;
	v21 =	vld [tilespmem:s31+$0xFFFFFFC0]  }
0x32: {  	v3 =	vand.u32 $0x7F, v10;
	v5 =	vsub.s32 v12, v2;
	v10 =	vand.u32 $0xFFFFFF80, v6;
	[tilespmem:v13+s4+$0x0] =	vst.idx.msk vm5, v0  }
0x33: {  	v11 =	vand.u32 $0xFFFFFF80, v8;
	v18 =	vand.u32 $0x7F, v12;
	[tilespmem:v14+s4+$0x0] =	vst.idx.msk vm6, v0;
	v3 =	vor.u32 v3, v23  }
0x34: {  	v13 =	vsub.s32 v20, v2;
	[tilespmem:v17+s4+$0x0] =	vst.idx.msk vm2, v0;
	v20 =	vand.u32 $0x7F, v20;
	v7 =	vand.u32 $0xFFFFFF80, v5  }
0x35: {  	[tilespmem:v9+s4+$0x0] =	vst.idx.msk vm4, v0;
	v9 =	vsub.s32 v26, v2;
	v14 =	vand.u32 $0xFFFFFF80, v13;
	v15 =	vsub.s32 v4, v2  }
0x36: {  	[tilespmem:v27+s4+$0x0] =	vst.idx.msk vm1, v0;
	v12 =	vand.u32 $0xFFFFFF80, v9;
	v17 =	vand.u32 $0xFFFFFF80, v15;
	v22 =	vsub.s32 v21, v2  }
0x37: {  	s6 =	simm.s32 $0x140;
	s5 =	simm.s32 $0x8;
	[tilespmem:v24+s4+$0x0] =	vst.idx.msk vm7, v0;
	v23 =	vand.u32 $0x7F, v21;
	v21 =	vand.u32 $0x7F, v26;
	v24 =	vand.u32 $0xFFFFFF80, v22  }
.LBB2_3:
0x38: {  	v25 =	vld [tilespmem:s6+$0x30];
	s5 =	sadd.s32 $0x8, s5;
	vm6 =	vlt.u32 v22, v1;
	v22 =	vor.u32 v23, v24;
	v4 =	vand.u32 $0x7F, v4;
	[tilespmem:v3+s4+$0x0] =	vst.idx.msk vm0, v0  }
0x39: {  	vm5 =	vlt.u32 v6, v1;
	v16 =	vor.u32 v16, v10;
	vm4 =	vlt.u32 v5, v1;
	v23 =	vld [tilespmem:s6+$0xFFFFFFD0];
	p1 =	slt.u32 s5, $0xF8  }
0x3a: {  	v18 =	vor.u32 v18, v7;
	vm3 =	vlt.u32 v8, v1;
	v19 =	vor.u32 v19, v11;
	v24 =	vld [tilespmem:s6+$0xFFFFFFE0]  }
0x3b: {  	vm2 =	vlt.u32 v9, v1;
	v21 =	vor.u32 v21, v12;
	vm1 =	vlt.u32 v13, v1;
	v26 =	vld [tilespmem:s6+$0xFFFFFFF0]  }
0x3c: {  	v28 =	vor.u32 v20, v14;
	vm0 =	vlt.u32 v15, v1;
	v3 =	vor.u32 v4, v17;
	v27 =	vld [tilespmem:s6+$0x0]  }
0x3d: {  	v20 =	vld [tilespmem:s6+$0x10];
	v5 =	vsub.s32 v25, v2  }
0x3e: {  	v8 =	vand.u32 $0x7F, v25;
	v4 =	vld [tilespmem:s6+$0x20];
	vm7 =	vlt.u32 v5, v1;
	v7 =	vand.u32 $0xFFFFFF80, v5;
	[tilespmem:v22+s4+$0x0] =	vst.idx.msk vm6, v0  }
0x3f: {  	v6 =	vsub.s32 v23, v2;
	v17 =	vld [tilespmem:s6+$0xFFFFFFC0];
	v5 =	vsub.s32 v24, v2;
	v25 =	vor.u32 v8, v7  }
0x40: {  	v10 =	vand.u32 $0xFFFFFF80, v6;
	v7 =	vand.u32 $0xFFFFFF80, v5;
	v8 =	vsub.s32 v26, v2;
	[tilespmem:v16+s4+$0x0] =	vst.idx.msk vm5, v0  }
.Ltmp1:
0x41: {  	v16 =	vand.u32 $0x7F, v23;
	v11 =	vand.u32 $0xFFFFFF80, v8;
	v9 =	vsub.s32 v27, v2;
	[tilespmem:v18+s4+$0x0] =	vst.idx.msk vm4, v0;
	(pc) =	sbr.rel @p1 .LBB2_3-.Ltmp1, $4  }
0x42: {  	v18 =	vand.u32 $0x7F, v24;
	v12 =	vand.u32 $0xFFFFFF80, v9;
	v13 =	vsub.s32 v20, v2;
	[tilespmem:v19+s4+$0x0] =	vst.idx.msk vm3, v0  }
0x43: {  	v19 =	vand.u32 $0x7F, v26;
	v14 =	vand.u32 $0xFFFFFF80, v13;
	v15 =	vsub.s32 v4, v2;
	[tilespmem:v21+s4+$0x0] =	vst.idx.msk vm2, v0  }
0x44: {  	v22 =	vsub.s32 v17, v2;
	v23 =	vand.u32 $0x7F, v17;
	v17 =	vand.u32 $0xFFFFFF80, v15;
	[tilespmem:v25+s4+$0x0] =	vst.idx.msk vm7, v0  }
0x45: {  	s6 =	sadd.s32 $0x80, s6;
	v20 =	vand.u32 $0x7F, v20;
	v21 =	vand.u32 $0x7F, v27;
	v24 =	vand.u32 $0xFFFFFF80, v22;
	[tilespmem:v28+s4+$0x0] =	vst.idx.msk vm1, v0  }
0x46: {  	vm1 =	vlt.u32 v22, v1  }
0x47: {  	v2 =	vor.u32 v23, v24;
	vm2 =	vlt.u32 v6, v1  }
0x48: {  	v58 =	vor.u32 v16, v10;
	vm3 =	vlt.u32 v5, v1  }
0x49: {  	v59 =	vor.u32 v18, v7;
	vm4 =	vlt.u32 v8, v1  }
0x4a: {  	v60 =	vor.u32 v19, v11;
	vm5 =	vlt.u32 v9, v1  }
0x4b: {  	[tilespmem:v3+s4+$0x0] =	vst.idx.msk vm0, v0;
	v61 =	vor.u32 v21, v12;
	vm15 =	vlt.u32 v13, v1  }
0x4c: {  	v4 =	vand.u32 $0x7F, v4;
	v62 =	vor.u32 v20, v14;
	vm6 =	vlt.u32 v15, v1;
	[tilespmem:v2+s4+$0x0] =	vst.idx.msk vm1, v0  }
0x4d: {  	v63 =	vor.u32 v4, v17;
	[tilespmem:v58+s4+$0x0] =	vst.idx.msk vm2, v0  }
.Ltmp2:
0x4e: {  	[tilespmem:v59+s4+$0x0] =	vst.idx.msk vm3, v0;
	(pc) =	sbr.rel @p0 .LBB2_7-.Ltmp2, $4  }
0x4f: {  	[tilespmem:v60+s4+$0x0] =	vst.idx.msk vm4, v0  }
0x50: {  	[tilespmem:v61+s4+$0x0] =	vst.idx.msk vm5, v0  }
0x51: {  	[tilespmem:v62+s4+$0x0] =	vst.idx.msk vm15, v0  }
0x52: {  	[tilespmem:v63+s4+$0x0] =	vst.idx.msk vm6, v0  }
0x53: {  	p0 =	sne.s32 s1, $0x0  }
0x54: {  	v0 =	vld @!p0 [tilespmem:$0x1000];
	_ =	sdelay $0x3  }
0x55: {  	vm0 =	vmmov @!p0 $0x1f  }
0x56: {  	s3 =	sshrl.u32 s3, $0x3;
	s30 =	simm.s32 $0x0;
	s4 =	simm.s32 $0x1000;
	v0 =	vsel @!p0 vm0, $0x3FC00000, v0  }
.Ltmp3:
0x57: {  	s31 =	simm.s32 $0x2;
	s2 =	sadd.s32 s2, s3;
	[tilespmem:$0x1000] =	vst @!p0 v0;
	(pc) =	sbr.rel .LBB2_6-.Ltmp3, $4  }
0x58: {  	[hbm4b:s2+s30] =	stream.linear.scatter [tilespmem:s4], [sflag:$0x2], $0x1900, $0x38;
	[tilespmem:$0x2900] =	vst v63  }
0x59: {  	_ =	swait.ge [sflag:s31], $0x1900  }
0x5a: {  	[sflag:s31] =	ssyncset.done $0x0  }
0x5b: {  	[sflag:s31] =	ssyncadd.s32 $0xFFFFE700  }
.LBB2_7:
0x5c: {  	s2 =	sadd.s32 $0x2EE0, s2  }
0x5d: {  	s3 =	simm.s32 $0x0;
	s4 =	simm.s32 $0x1000;
	s31 =	simm.s32 $0x2  }
0x5e: {  	[hbm4b:s2+s3] =	stream.linear.scatter [tilespmem:s4], [sflag:$0x2], $0xFA0, $0x38;
	[tilespmem:$0x2900] =	vst v63  }
0x5f: {  	_ =	swait.ge [sflag:s31], $0xFA0  }
0x60: {  	[sflag:s31] =	ssyncset.done $0x0  }
0x61: {  	[sflag:s31] =	ssyncadd.s32 $0xFFFFF060  }
.LBB2_6:
0x62: {  	_ =	sfence.sel $0x180000  }
0x63: {  	[bflag:$0x0] =	sbarrier.arrive $0xFFFF  }
0x64: {  	p0 =	sne.s32 s1, $0x0;
	_ =	strace $0x90000047  }
0x65: {  	s0 =	sadd.s32 @!p0 $0x100000, s0;
	[bflag:$0x2] =	sbarrier.arrive $0xFFFF  }
0x66: {  	[sflag:s0] =	ssyncadd.tile.s32 @!p0 $0x1;
	_ =	shalt  }
.Lfunc_end2:
_tile_overlayer_lowered:
.L_overlay_start_2:
0x67: {  	(tag) =	ssettag $0x2  }
0x68: {  	s0 =	rddreg [dreg:$0x0];
	s2 =	stileid.u32  }
0x69: {  	s1 =	rddreg [dreg:$0x1];
	p0 =	sne.s32 s2, $0x0  }
0x6a: {  	s3 =	rddreg [dreg:$0x2];
	[bflag:$0x3] =	sbarrier.arrive $0xFFFF;
	s2 =	simm.s32 @!p0 $0x1C02  }
0x6b: {  	[timem:s3], [sflag:s2] =	dma.local @!p0 [hbm:s0], s1  }
0x6c: {  	s0 =	simm.s32 @!p0 $0x2  }
0x6d: {  	_ =	swait.ge @!p0 [sflag:s0], s1  }
0x6e: {  	s1 =	ssub.s32 @!p0 $0x0, s1;
	[sflag:s0] =	ssyncset.done @!p0 $0x0  }
0x6f: {  	[sflag:s0] =	ssyncadd.s32 @!p0 s1  }
0x70: {  	[bflag:$0x3] =	sbarrier.arrive $0xFFFF  }
0x71: {  	_ =	shalt  }

</sc_bundles>
